<compile_context>
chip_gen: v7x
topology: tpu7x:2x2x1
jax: 0.10.2.dev20260603
libtpu: 0.0.44.dev20260713+nightly
codegen_flags: <defaults>
</compile_context>

<pallas_src>
import functools

import jax
import jax.numpy as jnp
from jax import lax
from jax.experimental import pallas as pl
from jax.experimental.pallas import tpu as pltpu
from jax.experimental.pallas import tpu_sc as plsc

WH, WW = 16, 16
NUM_HEADS = 16
N = WH * WW
B = N * N
ROWS = (2 * WH - 1) * (2 * WW - 1)

_L = 16
_NW = 32
_BPW = B // _NW
_RPW = _BPW // N
_GROUPS = _BPW // _L

_mesh = plsc.VectorSubcoreMesh(core_axis_name="c", subcore_axis_name="s")


@functools.partial(
    pl.kernel,
    mesh=_mesh,
    compiler_params=pltpu.CompilerParams(needs_layout_passes=False),
    out_type=jax.ShapeDtypeStruct((1, NUM_HEADS, N, N), jnp.float32),
    scratch_types=[
        pltpu.VMEM((ROWS * NUM_HEADS,), jnp.float32),
        pltpu.VMEM((_BPW,), jnp.int32),
        pltpu.VMEM((NUM_HEADS, _RPW, N), jnp.float32),
        pltpu.SemaphoreType.DMA,
        pltpu.SemaphoreType.DMA,
    ],
)
def _bias_gather(table_hbm, idx_hbm, out_hbm, table_v, idx_v, out_v,
                 in_sem, out_sem):
    wid = lax.axis_index("s") * 2 + lax.axis_index("c")
    base = wid * _BPW

    ct = pltpu.async_copy(table_hbm, table_v, in_sem)
    ci = pltpu.async_copy(idx_hbm.at[pl.ds(base, _BPW)], idx_v, in_sem)
    ct.wait()
    ci.wait()

    def run_chunk(k, carry):
        lo = k * (_GROUPS // 4)

        @plsc.parallel_loop(lo, lo + _GROUPS // 4, unroll=1)
        def _(g):
            iv = idx_v[pl.ds(g * _L, _L)]
            r = g // _L
            c = (g % _L) * _L
            rowbase = iv * NUM_HEADS
            vals = [plsc.load_gather(table_v, [rowbase + h])
                    for h in range(NUM_HEADS)]
            for h in range(NUM_HEADS):
                out_v[h, r, pl.ds(c, _L)] = vals[h]

        r0 = k * (_RPW // 4)
        pltpu.async_copy(
            out_v.at[:, pl.ds(r0, _RPW // 4)],
            out_hbm.at[0, :, pl.ds(wid * _RPW + r0, _RPW // 4), :],
            out_sem)
        return carry

    lax.fori_loop(0, 4, run_chunk, 0)
    pltpu.make_async_copy(
        out_v, out_hbm.at[0, :, pl.ds(wid * _RPW, _RPW), :], out_sem).wait()


def kernel(relative_position_bias_table, relative_position_index):
    return _bias_gather(relative_position_bias_table.reshape(-1),
                        relative_position_index)

# --- scband reference (transcript-rebuilt; emitter-appended) ---
"""Pipeline reference for scband-relative-position-bias-74088185856719 (READ-ONLY COPY).

The authoritative reference and input builder live on the scoring server;
editing this copy changes nothing except your own understanding.
"""

import jax, jax.numpy as jnp
import numpy as np

WH, WW = 16, 16
NUM_HEADS = 16


def double_step_seq(step1, len1, step2, len2):
    seq1 = jnp.arange(0, step1 * len1, step1)
    seq2 = jnp.arange(0, step2 * len2, step2)
    return (seq1[:, None] + seq2[None, :]).reshape(1, -1)


def setup_inputs(seed: int = 0) -> dict:
    key = jax.random.key(seed)
    num_rows = (2 * WH - 1) * (2 * WW - 1)
    table = jax.random.truncated_normal(key, -2.0, 2.0, (num_rows, NUM_HEADS), dtype=jnp.float32) * 0.02
    coords = double_step_seq(2 * WW - 1, WH, 1, WW)
    idx = coords + coords.T
    idx = jnp.flip(idx, axis=1).reshape(-1).astype(jnp.int32)
    return {"relative_position_bias_table": table, "relative_position_index": idx}


def reference(relative_position_bias_table, relative_position_index):
    N = WH * WW
    bias = jnp.take(relative_position_bias_table, relative_position_index, axis=0)
    bias = bias.reshape(N, N, -1)
    bias = jnp.transpose(bias, (2, 0, 1))
    bias = bias[None]
    return bias

if __name__ == "__main__":
    import jax
    _d = setup_inputs()
    print(jax.jit(kernel)(*tuple(_d.values())))

</pallas_src>

<mosaic_0001>
#map = affine_map<(d0, d1) -> (0)>
#map1 = affine_map<(d0, d1) -> (0, 0, 0, 0)>
module attributes {stable_mosaic.version = 14 : i64} {
  func.func @_bias_gather(%arg0: i32, %arg1: i32, %arg2: memref<15376xf32, #tpu.memory_space<hbm>>, %arg3: memref<65536xi32, #tpu.memory_space<hbm>>, %arg4: memref<1x16x256x256xf32, #tpu.memory_space<hbm>>, %arg5: memref<15376xf32, #tpu.memory_space<vmem>>, %arg6: memref<2048xi32, #tpu.memory_space<vmem>>, %arg7: memref<16x8x256xf32, #tpu.memory_space<vmem>>, %arg8: memref<!tpu.dma_semaphore, #tpu.memory_space<semaphore_mem>>, %arg9: memref<!tpu.dma_semaphore, #tpu.memory_space<semaphore_mem>>) attributes {dimension_semantics = [#tpu.dimension_semantics<core_parallel>, #tpu.dimension_semantics<subcore_parallel>], iteration_bounds = array<i64: 2, 16>, scalar_prefetch = 0 : i64, scratch_operands = 5 : i64, tpu.core_type = #tpu.core_type<sc_vector_subcore>, window_params = [{transform_indices = #map}, {transform_indices = #map}, {transform_indices = #map1}]} {
    %mul3A = arith.constant 2 : i32
    %mul3A_0 = arith.muli %arg1, %mul3A : i32
    %add3A = arith.addi %mul3A_0, %arg0 : i32
    %mul3A_1 = arith.constant 2048 : i32
    %mul3A_2 = arith.muli %add3A, %mul3A_1 : i32
    tpu.enqueue_dma source(%arg2 : memref<15376xf32, #tpu.memory_space<hbm>>) target(%arg5 : memref<15376xf32, #tpu.memory_space<vmem>>) target_semaphore(%arg8 : memref<!tpu.dma_semaphore, #tpu.memory_space<semaphore_mem>>)
    %dma_start3A = tpu.memref_slice %arg3[%mul3A_2] : memref<65536xi32, #tpu.memory_space<hbm>> -> memref<2048xi32, #tpu.memory_space<hbm>>
    %dma_start3A_3 = tpu.memref_slice %arg3[%mul3A_2] : memref<65536xi32, #tpu.memory_space<hbm>> -> memref<2048xi32, #tpu.memory_space<hbm>>
    tpu.enqueue_dma source(%dma_start3A_3 : memref<2048xi32, #tpu.memory_space<hbm>>) target(%arg6 : memref<2048xi32, #tpu.memory_space<vmem>>) target_semaphore(%arg8 : memref<!tpu.dma_semaphore, #tpu.memory_space<semaphore_mem>>)
    tpu.wait_dma2 semaphore(%arg8 : memref<!tpu.dma_semaphore, #tpu.memory_space<semaphore_mem>>) src(%arg2 : memref<15376xf32, #tpu.memory_space<hbm>>) dst(%arg5 : memref<15376xf32, #tpu.memory_space<vmem>>)
    %dma_wait3A = tpu.memref_slice %arg3[%mul3A_2] : memref<65536xi32, #tpu.memory_space<hbm>> -> memref<2048xi32, #tpu.memory_space<hbm>>
    %dma_wait3A_4 = tpu.memref_slice %arg3[%mul3A_2] : memref<65536xi32, #tpu.memory_space<hbm>> -> memref<2048xi32, #tpu.memory_space<hbm>>
    tpu.wait_dma2 semaphore(%arg8 : memref<!tpu.dma_semaphore, #tpu.memory_space<semaphore_mem>>) src(%dma_wait3A_4 : memref<2048xi32, #tpu.memory_space<hbm>>) dst(%arg6 : memref<2048xi32, #tpu.memory_space<vmem>>)
    %scan3A = arith.constant 0 : i32
    %scan3A_5 = arith.constant 0 : i32
    %scan3A_6 = arith.constant 4 : i32
    %scan3A_7 = arith.addi %scan3A_5, %scan3A_6 : i32
    %scan3A_8 = arith.constant 1 : i32
    scf.for %scan3A_21 = %scan3A_5 to %scan3A_7 step %scan3A_8  : i32 {
      %mul3A_22 = arith.constant 32 : i32
      %mul3A_23 = arith.muli %scan3A_21, %mul3A_22 : i32
      %add3A_24 = arith.constant 32 : i32
      %add3A_25 = arith.addi %mul3A_23, %add3A_24 : i32
      %parallel_loop3A = arith.constant 1 : i32
      scf.for %parallel_loop3A_46 = %mul3A_23 to %add3A_25 step %parallel_loop3A  : i32 {
        %parallel_loop3A_47 = arith.constant 16 : i32
        %parallel_loop3A_48 = arith.muli %parallel_loop3A_46, %parallel_loop3A_47 : i32
        %parallel_loop3A_49 = arith.index_cast %parallel_loop3A_48 : i32 to index
        %parallel_loop3A_50 = tpu.vector_load %arg6[%parallel_loop3A_49] {strides = array<i32>} : memref<2048xi32, #tpu.memory_space<vmem>>, vector<16xi32>,
        %parallel_loop3A_51 = arith.constant 16 : i32
        %parallel_loop3A_52 = arith.divsi %parallel_loop3A_46, %parallel_loop3A_51 : i32
        %parallel_loop3A_53 = arith.constant 0 : i32
        %parallel_loop3A_54 = arith.cmpi sgt, %parallel_loop3A_46, %parallel_loop3A_53 : i32
        %parallel_loop3A_55 = arith.extui %parallel_loop3A_54 : i1 to i32
        %parallel_loop3A_56 = arith.constant 0 : i32
        %parallel_loop3A_57 = arith.cmpi slt, %parallel_loop3A_46, %parallel_loop3A_56 : i32
        %parallel_loop3A_58 = arith.extui %parallel_loop3A_57 : i1 to i32
        %parallel_loop3A_59 = arith.subi %parallel_loop3A_55, %parallel_loop3A_58 : i32
        %parallel_loop3A_60 = arith.constant 0 : i32
        %parallel_loop3A_61 = arith.cmpi sgt, %parallel_loop3A_51, %parallel_loop3A_60 : i32
        %parallel_loop3A_62 = arith.extui %parallel_loop3A_61 : i1 to i32
        %parallel_loop3A_63 = arith.constant 0 : i32
        %parallel_loop3A_64 = arith.cmpi slt, %parallel_loop3A_51, %parallel_loop3A_63 : i32
        %parallel_loop3A_65 = arith.extui %parallel_loop3A_64 : i1 to i32
        %parallel_loop3A_66 = arith.subi %parallel_loop3A_62, %parallel_loop3A_65 : i32
        %parallel_loop3A_67 = arith.cmpi ne, %parallel_loop3A_59, %parallel_loop3A_66 : i32
        %parallel_loop3A_68 = arith.remsi %parallel_loop3A_46, %parallel_loop3A_51 : i32
        %parallel_loop3A_69 = arith.constant 0 : i32
        %parallel_loop3A_70 = arith.cmpi ne, %parallel_loop3A_68, %parallel_loop3A_69 : i32
        %parallel_loop3A_71 = arith.andi %parallel_loop3A_67, %parallel_loop3A_70 : i1
        %parallel_loop3A_72 = arith.constant 1 : i32
        %parallel_loop3A_73 = arith.subi %parallel_loop3A_52, %parallel_loop3A_72 : i32
        %parallel_loop3A_74 = arith.select %parallel_loop3A_71, %parallel_loop3A_73, %parallel_loop3A_52 : i32
        %parallel_loop3A_75 = arith.constant 16 : i32
        %parallel_loop3A_76 = arith.constant 0 : i32
        %parallel_loop3A_77 = arith.cmpi eq, %parallel_loop3A_75, %parallel_loop3A_76 : i32
        %parallel_loop3A_78 = arith.constant 1 : i32
        %parallel_loop3A_79 = arith.select %parallel_loop3A_77, %parallel_loop3A_78, %parallel_loop3A_75 : i32
        %parallel_loop3A_80 = arith.remsi %parallel_loop3A_46, %parallel_loop3A_79 : i32
        %parallel_loop3A_81 = arith.constant 0 : i32
        %parallel_loop3A_82 = arith.cmpi ne, %parallel_loop3A_80, %parallel_loop3A_81 : i32
        %parallel_loop3A_83 = arith.constant 0 : i32
        %parallel_loop3A_84 = arith.cmpi slt, %parallel_loop3A_80, %parallel_loop3A_83 : i32
        %parallel_loop3A_85 = arith.constant 0 : i32
        %parallel_loop3A_86 = arith.cmpi slt, %parallel_loop3A_79, %parallel_loop3A_85 : i32
        %parallel_loop3A_87 = arith.xori %parallel_loop3A_84, %parallel_loop3A_86 : i1
        %parallel_loop3A_88 = arith.andi %parallel_loop3A_87, %parallel_loop3A_82 : i1
        %parallel_loop3A_89 = arith.addi %parallel_loop3A_80, %parallel_loop3A_79 : i32
        %parallel_loop3A_90 = arith.select %parallel_loop3A_88, %parallel_loop3A_89, %parallel_loop3A_80 : i32
        %parallel_loop3A_91 = arith.constant 16 : i32
        %parallel_loop3A_92 = arith.muli %parallel_loop3A_90, %parallel_loop3A_91 : i32
        %parallel_loop3A_93 = arith.constant 16 : i32
        %parallel_loop3A_94 = vector.broadcast %parallel_loop3A_93 : i32 to vector<16xi32>
        %parallel_loop3A_95 = arith.muli %parallel_loop3A_50, %parallel_loop3A_94 : vector<16xi32>
        %parallel_loop3A_96 = arith.constant 0 : i32
        %parallel_loop3A_97 = vector.broadcast %parallel_loop3A_96 : i32 to vector<16xi32>
        %parallel_loop3A_98 = arith.addi %parallel_loop3A_95, %parallel_loop3A_97 : vector<16xi32>
        %parallel_loop3A_99 = tpu.vector_load_idx %arg5[%parallel_loop3A_98] : memref<15376xf32, #tpu.memory_space<vmem>>[vector<16xi32>], vector<16xf32>,
        %parallel_loop3A_100 = arith.constant 1 : i32
        %parallel_loop3A_101 = vector.broadcast %parallel_loop3A_100 : i32 to vector<16xi32>
        %parallel_loop3A_102 = arith.addi %parallel_loop3A_95, %parallel_loop3A_101 : vector<16xi32>
        %parallel_loop3A_103 = tpu.vector_load_idx %arg5[%parallel_loop3A_102] : memref<15376xf32, #tpu.memory_space<vmem>>[vector<16xi32>], vector<16xf32>,
        %parallel_loop3A_104 = arith.constant 2 : i32
        %parallel_loop3A_105 = vector.broadcast %parallel_loop3A_104 : i32 to vector<16xi32>
        %parallel_loop3A_106 = arith.addi %parallel_loop3A_95, %parallel_loop3A_105 : vector<16xi32>
        %parallel_loop3A_107 = tpu.vector_load_idx %arg5[%parallel_loop3A_106] : memref<15376xf32, #tpu.memory_space<vmem>>[vector<16xi32>], vector<16xf32>,
        %parallel_loop3A_108 = arith.constant 3 : i32
        %parallel_loop3A_109 = vector.broadcast %parallel_loop3A_108 : i32 to vector<16xi32>
        %parallel_loop3A_110 = arith.addi %parallel_loop3A_95, %parallel_loop3A_109 : vector<16xi32>
        %parallel_loop3A_111 = tpu.vector_load_idx %arg5[%parallel_loop3A_110] : memref<15376xf32, #tpu.memory_space<vmem>>[vector<16xi32>], vector<16xf32>,
        %parallel_loop3A_112 = arith.constant 4 : i32
        %parallel_loop3A_113 = vector.broadcast %parallel_loop3A_112 : i32 to vector<16xi32>
        %parallel_loop3A_114 = arith.addi %parallel_loop3A_95, %parallel_loop3A_113 : vector<16xi32>
        %parallel_loop3A_115 = tpu.vector_load_idx %arg5[%parallel_loop3A_114] : memref<15376xf32, #tpu.memory_space<vmem>>[vector<16xi32>], vector<16xf32>,
        %parallel_loop3A_116 = arith.constant 5 : i32
        %parallel_loop3A_117 = vector.broadcast %parallel_loop3A_116 : i32 to vector<16xi32>
        %parallel_loop3A_118 = arith.addi %parallel_loop3A_95, %parallel_loop3A_117 : vector<16xi32>
        %parallel_loop3A_119 = tpu.vector_load_idx %arg5[%parallel_loop3A_118] : memref<15376xf32, #tpu.memory_space<vmem>>[vector<16xi32>], vector<16xf32>,
        %parallel_loop3A_120 = arith.constant 6 : i32
        %parallel_loop3A_121 = vector.broadcast %parallel_loop3A_120 : i32 to vector<16xi32>
        %parallel_loop3A_122 = arith.addi %parallel_loop3A_95, %parallel_loop3A_121 : vector<16xi32>
        %parallel_loop3A_123 = tpu.vector_load_idx %arg5[%parallel_loop3A_122] : memref<15376xf32, #tpu.memory_space<vmem>>[vector<16xi32>], vector<16xf32>,
        %parallel_loop3A_124 = arith.constant 7 : i32
        %parallel_loop3A_125 = vector.broadcast %parallel_loop3A_124 : i32 to vector<16xi32>
        %parallel_loop3A_126 = arith.addi %parallel_loop3A_95, %parallel_loop3A_125 : vector<16xi32>
        %parallel_loop3A_127 = tpu.vector_load_idx %arg5[%parallel_loop3A_126] : memref<15376xf32, #tpu.memory_space<vmem>>[vector<16xi32>], vector<16xf32>,
        %parallel_loop3A_128 = arith.constant 8 : i32
        %parallel_loop3A_129 = vector.broadcast %parallel_loop3A_128 : i32 to vector<16xi32>
        %parallel_loop3A_130 = arith.addi %parallel_loop3A_95, %parallel_loop3A_129 : vector<16xi32>
        %parallel_loop3A_131 = tpu.vector_load_idx %arg5[%parallel_loop3A_130] : memref<15376xf32, #tpu.memory_space<vmem>>[vector<16xi32>], vector<16xf32>,
        %parallel_loop3A_132 = arith.constant 9 : i32
        %parallel_loop3A_133 = vector.broadcast %parallel_loop3A_132 : i32 to vector<16xi32>
        %parallel_loop3A_134 = arith.addi %parallel_loop3A_95, %parallel_loop3A_133 : vector<16xi32>
        %parallel_loop3A_135 = tpu.vector_load_idx %arg5[%parallel_loop3A_134] : memref<15376xf32, #tpu.memory_space<vmem>>[vector<16xi32>], vector<16xf32>,
        %parallel_loop3A_136 = arith.constant 10 : i32
        %parallel_loop3A_137 = vector.broadcast %parallel_loop3A_136 : i32 to vector<16xi32>
        %parallel_loop3A_138 = arith.addi %parallel_loop3A_95, %parallel_loop3A_137 : vector<16xi32>
        %parallel_loop3A_139 = tpu.vector_load_idx %arg5[%parallel_loop3A_138] : memref<15376xf32, #tpu.memory_space<vmem>>[vector<16xi32>], vector<16xf32>,
        %parallel_loop3A_140 = arith.constant 11 : i32
        %parallel_loop3A_141 = vector.broadcast %parallel_loop3A_140 : i32 to vector<16xi32>
        %parallel_loop3A_142 = arith.addi %parallel_loop3A_95, %parallel_loop3A_141 : vector<16xi32>
        %parallel_loop3A_143 = tpu.vector_load_idx %arg5[%parallel_loop3A_142] : memref<15376xf32, #tpu.memory_space<vmem>>[vector<16xi32>], vector<16xf32>,
        %parallel_loop3A_144 = arith.constant 12 : i32
        %parallel_loop3A_145 = vector.broadcast %parallel_loop3A_144 : i32 to vector<16xi32>
        %parallel_loop3A_146 = arith.addi %parallel_loop3A_95, %parallel_loop3A_145 : vector<16xi32>
        %parallel_loop3A_147 = tpu.vector_load_idx %arg5[%parallel_loop3A_146] : memref<15376xf32, #tpu.memory_space<vmem>>[vector<16xi32>], vector<16xf32>,
        %parallel_loop3A_148 = arith.constant 13 : i32
        %parallel_loop3A_149 = vector.broadcast %parallel_loop3A_148 : i32 to vector<16xi32>
        %parallel_loop3A_150 = arith.addi %parallel_loop3A_95, %parallel_loop3A_149 : vector<16xi32>
        %parallel_loop3A_151 = tpu.vector_load_idx %arg5[%parallel_loop3A_150] : memref<15376xf32, #tpu.memory_space<vmem>>[vector<16xi32>], vector<16xf32>,
        %parallel_loop3A_152 = arith.constant 14 : i32
        %parallel_loop3A_153 = vector.broadcast %parallel_loop3A_152 : i32 to vector<16xi32>
        %parallel_loop3A_154 = arith.addi %parallel_loop3A_95, %parallel_loop3A_153 : vector<16xi32>
        %parallel_loop3A_155 = tpu.vector_load_idx %arg5[%parallel_loop3A_154] : memref<15376xf32, #tpu.memory_space<vmem>>[vector<16xi32>], vector<16xf32>,
        %parallel_loop3A_156 = arith.constant 15 : i32
        %parallel_loop3A_157 = vector.broadcast %parallel_loop3A_156 : i32 to vector<16xi32>
        %parallel_loop3A_158 = arith.addi %parallel_loop3A_95, %parallel_loop3A_157 : vector<16xi32>
        %parallel_loop3A_159 = tpu.vector_load_idx %arg5[%parallel_loop3A_158] : memref<15376xf32, #tpu.memory_space<vmem>>[vector<16xi32>], vector<16xf32>,
        %parallel_loop3A_160 = arith.constant 0 : i32
        %parallel_loop3A_161 = arith.index_cast %parallel_loop3A_160 : i32 to index
        %parallel_loop3A_162 = arith.index_cast %parallel_loop3A_74 : i32 to index
        %parallel_loop3A_163 = arith.index_cast %parallel_loop3A_92 : i32 to index
        %parallel_loop3A_164 = tpu.vector_load %arg7[%parallel_loop3A_161, %parallel_loop3A_162, %parallel_loop3A_163] {strides = array<i32>} : memref<16x8x256xf32, #tpu.memory_space<vmem>>, vector<16xf32>,
        tpu.vector_store %arg7[%parallel_loop3A_161, %parallel_loop3A_162, %parallel_loop3A_163], %parallel_loop3A_99 {strides = array<i32>} : memref<16x8x256xf32, #tpu.memory_space<vmem>>, vector<16xf32>,
        %parallel_loop3A_165 = arith.constant 1 : i32
        %parallel_loop3A_166 = arith.index_cast %parallel_loop3A_165 : i32 to index
        %parallel_loop3A_167 = arith.index_cast %parallel_loop3A_74 : i32 to index
        %parallel_loop3A_168 = arith.index_cast %parallel_loop3A_92 : i32 to index
        %parallel_loop3A_169 = tpu.vector_load %arg7[%parallel_loop3A_166, %parallel_loop3A_167, %parallel_loop3A_168] {strides = array<i32>} : memref<16x8x256xf32, #tpu.memory_space<vmem>>, vector<16xf32>,
        tpu.vector_store %arg7[%parallel_loop3A_166, %parallel_loop3A_167, %parallel_loop3A_168], %parallel_loop3A_103 {strides = array<i32>} : memref<16x8x256xf32, #tpu.memory_space<vmem>>, vector<16xf32>,
        %parallel_loop3A_170 = arith.constant 2 : i32
        %parallel_loop3A_171 = arith.index_cast %parallel_loop3A_170 : i32 to index
        %parallel_loop3A_172 = arith.index_cast %parallel_loop3A_74 : i32 to index
        %parallel_loop3A_173 = arith.index_cast %parallel_loop3A_92 : i32 to index
        %parallel_loop3A_174 = tpu.vector_load %arg7[%parallel_loop3A_171, %parallel_loop3A_172, %parallel_loop3A_173] {strides = array<i32>} : memref<16x8x256xf32, #tpu.memory_space<vmem>>, vector<16xf32>,
        tpu.vector_store %arg7[%parallel_loop3A_171, %parallel_loop3A_172, %parallel_loop3A_173], %parallel_loop3A_107 {strides = array<i32>} : memref<16x8x256xf32, #tpu.memory_space<vmem>>, vector<16xf32>,
        %parallel_loop3A_175 = arith.constant 3 : i32
        %parallel_loop3A_176 = arith.index_cast %parallel_loop3A_175 : i32 to index
        %parallel_loop3A_177 = arith.index_cast %parallel_loop3A_74 : i32 to index
        %parallel_loop3A_178 = arith.index_cast %parallel_loop3A_92 : i32 to index
        %parallel_loop3A_179 = tpu.vector_load %arg7[%parallel_loop3A_176, %parallel_loop3A_177, %parallel_loop3A_178] {strides = array<i32>} : memref<16x8x256xf32, #tpu.memory_space<vmem>>, vector<16xf32>,
        tpu.vector_store %arg7[%parallel_loop3A_176, %parallel_loop3A_177, %parallel_loop3A_178], %parallel_loop3A_111 {strides = array<i32>} : memref<16x8x256xf32, #tpu.memory_space<vmem>>, vector<16xf32>,
        %parallel_loop3A_180 = arith.constant 4 : i32
        %parallel_loop3A_181 = arith.index_cast %parallel_loop3A_180 : i32 to index
        %parallel_loop3A_182 = arith.index_cast %parallel_loop3A_74 : i32 to index
        %parallel_loop3A_183 = arith.index_cast %parallel_loop3A_92 : i32 to index
        %parallel_loop3A_184 = tpu.vector_load %arg7[%parallel_loop3A_181, %parallel_loop3A_182, %parallel_loop3A_183] {strides = array<i32>} : memref<16x8x256xf32, #tpu.memory_space<vmem>>, vector<16xf32>,
        tpu.vector_store %arg7[%parallel_loop3A_181, %parallel_loop3A_182, %parallel_loop3A_183], %parallel_loop3A_115 {strides = array<i32>} : memref<16x8x256xf32, #tpu.memory_space<vmem>>, vector<16xf32>,
        %parallel_loop3A_185 = arith.constant 5 : i32
        %parallel_loop3A_186 = arith.index_cast %parallel_loop3A_185 : i32 to index
        %parallel_loop3A_187 = arith.index_cast %parallel_loop3A_74 : i32 to index
        %parallel_loop3A_188 = arith.index_cast %parallel_loop3A_92 : i32 to index
        %parallel_loop3A_189 = tpu.vector_load %arg7[%parallel_loop3A_186, %parallel_loop3A_187, %parallel_loop3A_188] {strides = array<i32>} : memref<16x8x256xf32, #tpu.memory_space<vmem>>, vector<16xf32>,
        tpu.vector_store %arg7[%parallel_loop3A_186, %parallel_loop3A_187, %parallel_loop3A_188], %parallel_loop3A_119 {strides = array<i32>} : memref<16x8x256xf32, #tpu.memory_space<vmem>>, vector<16xf32>,
        %parallel_loop3A_190 = arith.constant 6 : i32
        %parallel_loop3A_191 = arith.index_cast %parallel_loop3A_190 : i32 to index
        %parallel_loop3A_192 = arith.index_cast %parallel_loop3A_74 : i32 to index
        %parallel_loop3A_193 = arith.index_cast %parallel_loop3A_92 : i32 to index
        %parallel_loop3A_194 = tpu.vector_load %arg7[%parallel_loop3A_191, %parallel_loop3A_192, %parallel_loop3A_193] {strides = array<i32>} : memref<16x8x256xf32, #tpu.memory_space<vmem>>, vector<16xf32>,
        tpu.vector_store %arg7[%parallel_loop3A_191, %parallel_loop3A_192, %parallel_loop3A_193], %parallel_loop3A_123 {strides = array<i32>} : memref<16x8x256xf32, #tpu.memory_space<vmem>>, vector<16xf32>,
        %parallel_loop3A_195 = arith.constant 7 : i32
        %parallel_loop3A_196 = arith.index_cast %parallel_loop3A_195 : i32 to index
        %parallel_loop3A_197 = arith.index_cast %parallel_loop3A_74 : i32 to index
        %parallel_loop3A_198 = arith.index_cast %parallel_loop3A_92 : i32 to index
        %parallel_loop3A_199 = tpu.vector_load %arg7[%parallel_loop3A_196, %parallel_loop3A_197, %parallel_loop3A_198] {strides = array<i32>} : memref<16x8x256xf32, #tpu.memory_space<vmem>>, vector<16xf32>,
        tpu.vector_store %arg7[%parallel_loop3A_196, %parallel_loop3A_197, %parallel_loop3A_198], %parallel_loop3A_127 {strides = array<i32>} : memref<16x8x256xf32, #tpu.memory_space<vmem>>, vector<16xf32>,
        %parallel_loop3A_200 = arith.constant 8 : i32
        %parallel_loop3A_201 = arith.index_cast %parallel_loop3A_200 : i32 to index
        %parallel_loop3A_202 = arith.index_cast %parallel_loop3A_74 : i32 to index
        %parallel_loop3A_203 = arith.index_cast %parallel_loop3A_92 : i32 to index
        %parallel_loop3A_204 = tpu.vector_load %arg7[%parallel_loop3A_201, %parallel_loop3A_202, %parallel_loop3A_203] {strides = array<i32>} : memref<16x8x256xf32, #tpu.memory_space<vmem>>, vector<16xf32>,
        tpu.vector_store %arg7[%parallel_loop3A_201, %parallel_loop3A_202, %parallel_loop3A_203], %parallel_loop3A_131 {strides = array<i32>} : memref<16x8x256xf32, #tpu.memory_space<vmem>>, vector<16xf32>,
        %parallel_loop3A_205 = arith.constant 9 : i32
        %parallel_loop3A_206 = arith.index_cast %parallel_loop3A_205 : i32 to index
        %parallel_loop3A_207 = arith.index_cast %parallel_loop3A_74 : i32 to index
        %parallel_loop3A_208 = arith.index_cast %parallel_loop3A_92 : i32 to index
        %parallel_loop3A_209 = tpu.vector_load %arg7[%parallel_loop3A_206, %parallel_loop3A_207, %parallel_loop3A_208] {strides = array<i32>} : memref<16x8x256xf32, #tpu.memory_space<vmem>>, vector<16xf32>,
        tpu.vector_store %arg7[%parallel_loop3A_206, %parallel_loop3A_207, %parallel_loop3A_208], %parallel_loop3A_135 {strides = array<i32>} : memref<16x8x256xf32, #tpu.memory_space<vmem>>, vector<16xf32>,
        %parallel_loop3A_210 = arith.constant 10 : i32
        %parallel_loop3A_211 = arith.index_cast %parallel_loop3A_210 : i32 to index
        %parallel_loop3A_212 = arith.index_cast %parallel_loop3A_74 : i32 to index
        %parallel_loop3A_213 = arith.index_cast %parallel_loop3A_92 : i32 to index
        %parallel_loop3A_214 = tpu.vector_load %arg7[%parallel_loop3A_211, %parallel_loop3A_212, %parallel_loop3A_213] {strides = array<i32>} : memref<16x8x256xf32, #tpu.memory_space<vmem>>, vector<16xf32>,
        tpu.vector_store %arg7[%parallel_loop3A_211, %parallel_loop3A_212, %parallel_loop3A_213], %parallel_loop3A_139 {strides = array<i32>} : memref<16x8x256xf32, #tpu.memory_space<vmem>>, vector<16xf32>,
        %parallel_loop3A_215 = arith.constant 11 : i32
        %parallel_loop3A_216 = arith.index_cast %parallel_loop3A_215 : i32 to index
        %parallel_loop3A_217 = arith.index_cast %parallel_loop3A_74 : i32 to index
        %parallel_loop3A_218 = arith.index_cast %parallel_loop3A_92 : i32 to index
        %parallel_loop3A_219 = tpu.vector_load %arg7[%parallel_loop3A_216, %parallel_loop3A_217, %parallel_loop3A_218] {strides = array<i32>} : memref<16x8x256xf32, #tpu.memory_space<vmem>>, vector<16xf32>,
        tpu.vector_store %arg7[%parallel_loop3A_216, %parallel_loop3A_217, %parallel_loop3A_218], %parallel_loop3A_143 {strides = array<i32>} : memref<16x8x256xf32, #tpu.memory_space<vmem>>, vector<16xf32>,
        %parallel_loop3A_220 = arith.constant 12 : i32
        %parallel_loop3A_221 = arith.index_cast %parallel_loop3A_220 : i32 to index
        %parallel_loop3A_222 = arith.index_cast %parallel_loop3A_74 : i32 to index
        %parallel_loop3A_223 = arith.index_cast %parallel_loop3A_92 : i32 to index
        %parallel_loop3A_224 = tpu.vector_load %arg7[%parallel_loop3A_221, %parallel_loop3A_222, %parallel_loop3A_223] {strides = array<i32>} : memref<16x8x256xf32, #tpu.memory_space<vmem>>, vector<16xf32>,
        tpu.vector_store %arg7[%parallel_loop3A_221, %parallel_loop3A_222, %parallel_loop3A_223], %parallel_loop3A_147 {strides = array<i32>} : memref<16x8x256xf32, #tpu.memory_space<vmem>>, vector<16xf32>,
        %parallel_loop3A_225 = arith.constant 13 : i32
        %parallel_loop3A_226 = arith.index_cast %parallel_loop3A_225 : i32 to index
        %parallel_loop3A_227 = arith.index_cast %parallel_loop3A_74 : i32 to index
        %parallel_loop3A_228 = arith.index_cast %parallel_loop3A_92 : i32 to index
        %parallel_loop3A_229 = tpu.vector_load %arg7[%parallel_loop3A_226, %parallel_loop3A_227, %parallel_loop3A_228] {strides = array<i32>} : memref<16x8x256xf32, #tpu.memory_space<vmem>>, vector<16xf32>,
        tpu.vector_store %arg7[%parallel_loop3A_226, %parallel_loop3A_227, %parallel_loop3A_228], %parallel_loop3A_151 {strides = array<i32>} : memref<16x8x256xf32, #tpu.memory_space<vmem>>, vector<16xf32>,
        %parallel_loop3A_230 = arith.constant 14 : i32
        %parallel_loop3A_231 = arith.index_cast %parallel_loop3A_230 : i32 to index
        %parallel_loop3A_232 = arith.index_cast %parallel_loop3A_74 : i32 to index
        %parallel_loop3A_233 = arith.index_cast %parallel_loop3A_92 : i32 to index
        %parallel_loop3A_234 = tpu.vector_load %arg7[%parallel_loop3A_231, %parallel_loop3A_232, %parallel_loop3A_233] {strides = array<i32>} : memref<16x8x256xf32, #tpu.memory_space<vmem>>, vector<16xf32>,
        tpu.vector_store %arg7[%parallel_loop3A_231, %parallel_loop3A_232, %parallel_loop3A_233], %parallel_loop3A_155 {strides = array<i32>} : memref<16x8x256xf32, #tpu.memory_space<vmem>>, vector<16xf32>,
        %parallel_loop3A_235 = arith.constant 15 : i32
        %parallel_loop3A_236 = arith.index_cast %parallel_loop3A_235 : i32 to index
        %parallel_loop3A_237 = arith.index_cast %parallel_loop3A_74 : i32 to index
        %parallel_loop3A_238 = arith.index_cast %parallel_loop3A_92 : i32 to index
        %parallel_loop3A_239 = tpu.vector_load %arg7[%parallel_loop3A_236, %parallel_loop3A_237, %parallel_loop3A_238] {strides = array<i32>} : memref<16x8x256xf32, #tpu.memory_space<vmem>>, vector<16xf32>,
        tpu.vector_store %arg7[%parallel_loop3A_236, %parallel_loop3A_237, %parallel_loop3A_238], %parallel_loop3A_159 {strides = array<i32>} : memref<16x8x256xf32, #tpu.memory_space<vmem>>, vector<16xf32>,
      } {sc.loop_unroll_factor = 1 : i64, sc.parallel_access}
      %mul3A_26 = arith.constant 2 : i32
      %mul3A_27 = arith.muli %scan3A_21, %mul3A_26 : i32
      %mul3A_28 = arith.constant 8 : i32
      %mul3A_29 = arith.muli %add3A, %mul3A_28 : i32
      %add3A_30 = arith.addi %mul3A_29, %mul3A_27 : i32
      %dma_start3A_31 = arith.constant 0 : i32
      %dma_start3A_32 = arith.constant 0 : i32
      %dma_start3A_33 = arith.constant 0 : i32
      %dma_start3A_34 = tpu.memref_slice %arg7[%dma_start3A_32, %mul3A_27, %dma_start3A_33] : memref<16x8x256xf32, #tpu.memory_space<vmem>> -> memref<16x2x256xf32, #tpu.memory_space<vmem>>
      %dma_start3A_35 = arith.constant 0 : i32
      %dma_start3A_36 = arith.constant 0 : i32
      %dma_start3A_37 = tpu.memref_slice %arg4[%dma_start3A_31, %dma_start3A_35, %add3A_30, %dma_start3A_36] : memref<1x16x256x256xf32, #tpu.memory_space<hbm>> -> memref<1x16x2x256xf32, #tpu.memory_space<hbm>>
      %dma_start3A_38 = tpu.memref_squeeze %dma_start3A_37 : memref<1x16x2x256xf32, #tpu.memory_space<hbm>> -> memref<16x2x256xf32, #tpu.memory_space<hbm>>
      %dma_start3A_39 = arith.constant 0 : i32
      %dma_start3A_40 = arith.constant 0 : i32
      %dma_start3A_41 = tpu.memref_slice %arg4[%dma_start3A_31, %dma_start3A_39, %add3A_30, %dma_start3A_40] : memref<1x16x256x256xf32, #tpu.memory_space<hbm>> -> memref<1x16x2x256xf32, #tpu.memory_space<hbm>>
      %dma_start3A_42 = tpu.memref_squeeze %dma_start3A_41 : memref<1x16x2x256xf32, #tpu.memory_space<hbm>> -> memref<16x2x256xf32, #tpu.memory_space<hbm>>
      %dma_start3A_43 = arith.constant 0 : i32
      %dma_start3A_44 = arith.constant 0 : i32
      %dma_start3A_45 = tpu.memref_slice %arg7[%dma_start3A_43, %mul3A_27, %dma_start3A_44] : memref<16x8x256xf32, #tpu.memory_space<vmem>> -> memref<16x2x256xf32, #tpu.memory_space<vmem>>
      tpu.enqueue_dma source(%dma_start3A_45 : memref<16x2x256xf32, #tpu.memory_space<vmem>>) target(%dma_start3A_42 : memref<16x2x256xf32, #tpu.memory_space<hbm>>) target_semaphore(%arg9 : memref<!tpu.dma_semaphore, #tpu.memory_space<semaphore_mem>>)
    }
    %scan3A_9 = arith.constant 4 : i32
    %mul3A_10 = arith.constant 8 : i32
    %mul3A_11 = arith.muli %add3A, %mul3A_10 : i32
    %dma_wait3A_12 = arith.constant 0 : i32
    %dma_wait3A_13 = arith.constant 0 : i32
    %dma_wait3A_14 = arith.constant 0 : i32
    %dma_wait3A_15 = tpu.memref_slice %arg4[%dma_wait3A_12, %dma_wait3A_13, %mul3A_11, %dma_wait3A_14] : memref<1x16x256x256xf32, #tpu.memory_space<hbm>> -> memref<1x16x8x256xf32, #tpu.memory_space<hbm>>
    %dma_wait3A_16 = tpu.memref_squeeze %dma_wait3A_15 : memref<1x16x8x256xf32, #tpu.memory_space<hbm>> -> memref<16x8x256xf32, #tpu.memory_space<hbm>>
    %dma_wait3A_17 = arith.constant 0 : i32
    %dma_wait3A_18 = arith.constant 0 : i32
    %dma_wait3A_19 = tpu.memref_slice %arg4[%dma_wait3A_12, %dma_wait3A_17, %mul3A_11, %dma_wait3A_18] : memref<1x16x256x256xf32, #tpu.memory_space<hbm>> -> memref<1x16x8x256xf32, #tpu.memory_space<hbm>>
    %dma_wait3A_20 = tpu.memref_squeeze %dma_wait3A_19 : memref<1x16x8x256xf32, #tpu.memory_space<hbm>> -> memref<16x8x256xf32, #tpu.memory_space<hbm>>
    tpu.wait_dma2 semaphore(%arg9 : memref<!tpu.dma_semaphore, #tpu.memory_space<semaphore_mem>>) src(%arg7 : memref<16x8x256xf32, #tpu.memory_space<vmem>>) dst(%dma_wait3A_20 : memref<16x8x256xf32, #tpu.memory_space<hbm>>)
    return
  }
}

</mosaic_0001>

<sc_bundles>
// kernel: kernel.3.cloned.1.call-start
scs
__scs_entry_jumppad:
0x0: {  	(pc) =	sbr.rel $0x88, $3  }
0x1: {  	(tag) =	ssettag $0x0;
	lr =	simm.s32 $0x1  }
0x2: {  	[smem:$0x3F9F] =	sst lr;
	_ =	strace $0xD0000000  }
0x3: {  	_ = 	snop  }
0x4: {  	_ = 	snop  }
0x5: {  	_ = 	snop  }
0x6: {  	_ = 	snop  }
0x7: {  	_ = 	snop  }
__scs_overlays_trampoline_lowered:
0x8: {  	[smem:$0x3FAE] =	sst s0  }
0x9: {  	[smem:$0x3FAF] =	sst s1  }
0xa: {  	[smem:$0x3FB0] =	sst s2  }
0xb: {  	[smem:$0x3FB1] =	sst s3  }
0xc: {  	[smem:$0x3FB2] =	sst s4  }
0xd: {  	[smem:$0x3FB3] =	sst s5  }
0xe: {  	[smem:$0x3FB4] =	sst s6  }
0xf: {  	[smem:$0x3FB5] =	sst s7  }
0x10: {  	[smem:$0x3FB6] =	sst s8  }
0x11: {  	[smem:$0x3FB7] =	sst s9;
	s0 =	simm.s32 @!p0 $0x0  }
0x12: {  	s1 =	sld [smem:$0x3F9D];
	s0 =	simm.s32 @p0 $0x1  }
0x13: {  	[smem:$0x3FB8] =	sst s0;
	s0 =	simm.s32 @!p1 $0x0  }
0x14: {  	s2 =	sld [smem:$0x3F9C];
	s0 =	simm.s32 @p1 $0x1  }
0x15: {  	[smem:$0x3FB9] =	sst s0;
	s0 =	simm.s32 @!p2 $0x0  }
0x16: {  	s3 =	sld [smem:$0x3FDB];
	s0 =	simm.s32 @p2 $0x1  }
0x17: {  	s4 =	simm.s32 $0x1BF5;
	[smem:$0x3FBB] =	sst s0  }
0x18: {  	s0 =	sld [smem:$0x3F9E];
	_ =	swait.ge [sflag:s4], $0x0  }
0x19: {  	s7 =	sld [smem:$0x3F9F]  }
0x1a: {  	s8 =	sadd.s32 $0xFFFFE003, lr  }
0x1b: {  	s9 =	sadd.s32 $0xFFFFFEF7, lr;
	s5 =	simm.s32 $0xFFFFFFFF;
	p2 =	slt.u32 s8, $0xFFFFF086  }
0x1c: {  	p1 =	slt.u32 s9, $0xF7A;
	s5 =	simm.s32 @!p2 $0x0  }
0x1d: {  	s5 =	simm.s32 @p1 $0x1;
	p0 =	seq.s32 s7, s2  }
0x1e: {  	s7 =	smul.u32 @!p0 $0xF7A, s2;
	p2 =	seq.s32 @!p0 s5, $0x0  }
0x1f: {  	s9 =	smul.u32 $0xF7A, s1;
	s8 =	simm.s32 @!p0 $0x1BF5;
	p2 =	por !p2, p0  }
0x20: {  	[sflag:s8] =	ssyncset.s32 @!p0 $0xFFFFF086;
	s6 =	sadd.s32 @!p0 s3, s7;
	s7 =	simm.s32 @!p0 $0x108  }
0x21: {  	s3 =	sadd.s32 s3, s9;
	s6 =	sadd.s32 @!p0 $0x88, s6;
	s7 =	simm.s32 @p2 $0x1082  }
0x22: {  	[simem:s7], [sflag:s8] =	dma.local @!p0 [hbm:s6], $0xF7A  }
0x23: {  	s9 =	sor.u32 $0xD0000000, s2;
	s6 =	simm.s32 $0x108;
	_ =	swait.ge @!p0 [sflag:s8], $0x0  }
0x24: {  	s3 =	sadd.s32 $0x88, s3;
	s6 =	simm.s32 @!p1 $0x1082;
	[sflag:s4] =	ssyncset.s32 $0xFFFFF086  }
0x25: {  	[simem:s6], [sflag:s4] =	dma.local [hbm:s3], $0xF7A  }
0x26: {  	[smem:$0x3F9F] =	sst s1;
	(tag) =	ssettag s2;
	_ =	strace s9  }
0x27: {  	s1 =	sld [smem:$0x3FAF]  }
0x28: {  	s2 =	sld [smem:$0x3FB0]  }
0x29: {  	s4 =	sld [smem:$0x3FB2]  }
0x2a: {  	p0 =	seq.s32 s5, $0x0;
	s5 =	sld [smem:$0x3FB3]  }
0x2b: {  	s6 =	sld [smem:$0x3FB4]  }
0x2c: {  	s7 =	sld [smem:$0x3FB5]  }
0x2d: {  	s3 =	simm.s32 $0x108;
	s8 =	sld [smem:$0x3FB6]  }
0x2e: {  	s3 =	simm.s32 @!p0 $0x1082;
	s9 =	sld [smem:$0x3FB7]  }
0x2f: {  	lr =	sadd.s32 s0, s3;
	s0 =	sld [smem:$0x3FAE]  }
0x30: {  	s3 =	sld [smem:$0x3FB1]  }
0x31: {  	[smem:$0x3FBA] =	sst s10  }
0x32: {  	s10 =	sld [smem:$0x3FB8];
	_ =	sdelay $0x3  }
0x33: {  	p0 =	seq.s32 s10, $0x1;
	s10 =	sld [smem:$0x3FBA];
	_ =	sdelay $0x3  }
0x34: {  	[smem:$0x3FBA] =	sst s10  }
0x35: {  	s10 =	sld [smem:$0x3FB9];
	_ =	sdelay $0x3  }
0x36: {  	p1 =	seq.s32 s10, $0x1;
	s10 =	sld [smem:$0x3FBA];
	_ =	sdelay $0x3  }
0x37: {  	[smem:$0x3FBA] =	sst s10  }
0x38: {  	s10 =	sld [smem:$0x3FBB]  }
0x39: {  	_ = 	snop;
	(pc) =	sbr.ind lr, $3  }
0x3a: {  	_ = 	snop  }
0x3b: {  	_ = 	snop  }
0x3c: {  	p2 =	seq.s32 s10, $0x1;
	s10 =	sld [smem:$0x3FBA]  }
0x3d: {  	_ =	shalt  }
0x3e: {  	_ =	shalt  }
0x3f: {  	_ =	shalt  }
0x40: {  	_ =	shalt  }
0x41: {  	_ =	shalt  }
0x42: {  	_ =	shalt  }
0x43: {  	_ =	shalt  }
0x44: {  	_ =	shalt  }
0x45: {  	_ =	shalt  }
0x46: {  	_ =	shalt  }
0x47: {  	_ =	shalt  }
0x48: {  	_ =	shalt  }
0x49: {  	_ =	shalt  }
0x4a: {  	_ =	shalt  }
0x4b: {  	_ =	shalt  }
0x4c: {  	_ =	shalt  }
0x4d: {  	_ =	shalt  }
0x4e: {  	_ =	shalt  }
0x4f: {  	_ =	shalt  }
0x50: {  	_ =	shalt  }
0x51: {  	_ =	shalt  }
0x52: {  	_ =	shalt  }
0x53: {  	_ =	shalt  }
0x54: {  	_ =	shalt  }
0x55: {  	_ =	shalt  }
0x56: {  	_ =	shalt  }
0x57: {  	_ =	shalt  }
0x58: {  	_ =	shalt  }
0x59: {  	_ =	shalt  }
0x5a: {  	_ =	shalt  }
0x5b: {  	_ =	shalt  }
0x5c: {  	_ =	shalt  }
0x5d: {  	_ =	shalt  }
0x5e: {  	_ =	shalt  }
0x5f: {  	_ =	shalt  }
0x60: {  	_ =	shalt  }
0x61: {  	_ =	shalt  }
0x62: {  	_ =	shalt  }
0x63: {  	_ =	shalt  }
0x64: {  	_ =	shalt  }
0x65: {  	_ =	shalt  }
0x66: {  	_ =	shalt  }
0x67: {  	_ =	shalt  }
0x68: {  	_ =	shalt  }
0x69: {  	_ =	shalt  }
0x6a: {  	_ =	shalt  }
0x6b: {  	_ =	shalt  }
0x6c: {  	_ =	shalt  }
0x6d: {  	_ =	shalt  }
0x6e: {  	_ =	shalt  }
0x6f: {  	_ =	shalt  }
0x70: {  	_ =	shalt  }
0x71: {  	_ =	shalt  }
0x72: {  	_ =	shalt  }
0x73: {  	_ =	shalt  }
0x74: {  	_ =	shalt  }
0x75: {  	_ =	shalt  }
0x76: {  	_ =	shalt  }
0x77: {  	_ =	shalt  }
0x78: {  	_ =	shalt  }
0x79: {  	_ =	shalt  }
0x7a: {  	_ =	shalt  }
0x7b: {  	_ =	shalt  }
0x7c: {  	_ =	shalt  }
0x7d: {  	_ =	shalt  }
0x7e: {  	_ =	shalt  }
0x7f: {  	_ =	shalt  }
0x80: {  	_ =	shalt  }
0x81: {  	_ =	shalt  }
0x82: {  	_ =	shalt  }
0x83: {  	_ =	shalt  }
0x84: {  	_ =	shalt  }
0x85: {  	_ =	shalt  }
0x86: {  	_ =	shalt  }
0x87: {  	_ =	shalt  }
.Lfunc_end0:
.L_simem_size_0:
called_computation_lowered:
.L_overlay_start_0:
0x88: {  	s2 =	sld [smem:$0x3FD9]  }
0x89: {  	s3 =	sld [smem:$0x3FFE];
	_ =	sdelay $0x1  }
0x8a: {  	s1 =	srdreg.scid  }
0x8b: {  	s0 =	sand.u32 $0x1, s1  }
0x8c: {  	s17 =	sshll.u32 s0, $0xA;
	s2 =	sadd.s32 s3, s2  }
0x8d: {  	s2 =	sadd.s32 s2, s17  }
0x8e: {  	[smem:$0x3FC6] =	sst s2  }
0x8f: {  	_ = 	snop  }
0x90: {  	s2 =	sld [smem:$0x3FC8]  }
0x91: {  	s18 =	sld [smem:$0x3FD0];
	(tm) =	ssettm $0x1  }
0x92: {  	s4 =	sld [smem:$0x3FFB];
	_ =	sdelay $0x3  }
0x93: {  	_ =	strace s4  }
0x94: {  	s4 =	sld [smem:$0x3FFC];
	_ =	sdelay $0x3  }
0x95: {  	_ =	strace s4  }
0x96: {  	s4 =	sld [smem:$0x3FFD];
	_ =	sdelay $0x3  }
0x97: {  	_ =	strace s4  }
0x98: {  	_ =	strace $0x8FFFFFFF  }
0x99: {  	s19 =	sld [smem:$0x3FDB];
	_ =	sdelay $0x1  }
0x9a: {  	s5 =	simm.s32 $_scs_section_size  }
0x9b: {  	s6 =	simm.s32 $_size__tile_overlayer_lowered;
	s7 =	simm.s32 $_tile_overlayer_lowered  }
0x9c: {  	s22 =	simm.s32 $0x1BFF;
	s21 =	sshll.u32 s7, $0x1;
	s4 =	sadd.s32 s5, s19  }
0x9d: {  	s8 =	simm.s32 $0x0;
	s20 =	sshll.u32 s6, $0x1;
	s6 =	sadd.s32 s21, s4  }
0x9e: {  	[timem:s8], [sflag:s22] =	dma.local [hbm:s6], s20  }
0x9f: {  	_ =	swait.ge [sflag:s22], s20  }
0xa0: {  	s5 =	ssub.s32 $0x0, s20;
	[sflag:s22] =	ssyncset.done $0x0  }
0xa1: {  	[sflag:s22] =	ssyncadd.s32 s5;
	_ =	sdelay $0x1  }
0xa2: {  	s23 =	simm.s32 $0x1B8B  }
0xa3: {  	_ =	swait.ge [sflag:s23], $0x1  }
0xa4: {  	[sflag:s23] =	ssyncset.done $0x0  }
0xa5: {  	s25 =	simm.s32 $0x1B8E;
	s24 =	sld [smem:$0x3FFE];
	[sflag:s23] =	ssyncadd.s32 $0xFFFFFFFF  }
0xa6: {  	s26 =	simm.s32 $execute0_lowered;
	[smem:$0x3FD2] =	sst s25  }
0xa7: {  	s6 =	sshll.u32 s26, $0x1;
	_ =	strace $0x80000046;
	[dreg:$0x1] =	wrdreg $0xFFFFFFFF  }
0xa8: {  	s28 =	simm.s32 $_size_execute0_lowered;
	s4 =	sadd.s32 s4, s6;
	[dreg:$0x0] =	wrdreg $0x0  }
0xa9: {  	s6 =	sshll.u32 s28, $0x1;
	[dreg:$0x2] =	wrdreg s4  }
0xaa: {  	[dreg:$0x3] =	wrdreg s6  }
0xab: {  	[dreg:$0x4] =	wrdreg $0xC0  }
0xac: {  	_ =	task [dreg:s8], $0x5FFFF  }
0xad: {  	[dreg:$0x1] =	wrdreg $0xFFFFFFFF  }
0xae: {  	[dreg:$0x0] =	wrdreg $0x60  }
0xaf: {  	[dreg:$0x2] =	wrdreg s24  }
0xb0: {  	[dreg:$0x3] =	wrdreg s2  }
0xb1: {  	[dreg:$0x4] =	wrdreg s18  }
0xb2: {  	[dreg:$0x5] =	wrdreg $0x9  }
0xb3: {  	_ =	task.clear_ibuf [dreg:s8], $0x6FFFF;
	_ =	strace $0x90000046  }
0xb4: {  	s29 =	simm.s32 $0x9;
	_ =	strace $0x80000048  }
0xb5: {  	_ =	swait.ge [sflag:s29], $0x1  }
0xb6: {  	[sflag:s29] =	ssyncadd.s32 $0xFFFFFFFF  }
0xb7: {  	_ =	strace $0x90000048  }
0xb8: {  	_ =	sfence  }
0xb9: {  	s30 =	sld [smem:$0x0];
	_ =	sdelay $0x2  }
0xba: {  	s31 =	sshll.u32 s1, $0xD;
	s1 =	sshrl.u32 s1, $0x2  }
0xbb: {  	s3 =	sand.u32 $0x4000, s31;
	s1 =	sadd.s32 s1, s30  }
0xbc: {  	s0 =	sor.u32 s3, s0;
	s1 =	sshll.u32 s1, $0x11  }
0xbd: {  	s0 =	sor.u32 s1, s0  }
0xbe: {  	s0 =	sadd.s32 $0x8F2B, s0  }
0xbf: {  	[sflag:s0] =	ssyncadd.remote.s32 $0x1  }
0xc0: {  	_ =	sfence.sel $0xFFFF  }
0xc1: {  	[dreg:$0x0] =	wrdreg $0xFFFFFFFF;
	(pc) =	sbr.abs _section_cstart, $3  }
0xc2: {  	[dreg:$0x1] =	wrdreg $0xFFFFFFFF  }
0xc3: {  	_ =	task.clear_ibuf [dreg:s8], $0x2FFFF;
	_ =	strace $0x9FFFFFFF  }
0xc4: {  	(tm) =	ssettm $0x7FFFFFFF  }
0xc5: {  	_ =	shalt  }
tec
execute0_lowered:
.L_overlay_start_1:
0x0: {  	(tag) =	ssettag $0x1  }
0x1: {  	s3 =	rddreg [dreg:$0x0]  }
0x2: {  	s4 =	rddreg [dreg:$0x1]  }
0x3: {  	s5 =	rddreg [dreg:$0x2]  }
0x4: {  	s0 =	rddreg [dreg:$0x3];
	s1 =	simm.s32 $0x0;
	s2 =	srdreg.scid  }
0x5: {  	[smem:$0x7FF] =	sst s1;
	s6 =	sand.u32 $0x1, s2  }
0x6: {  	s2 =	stileid.u32;
	s3 =	sadd.s32 $0x400, s3;
	_ =	strace $0x80000047  }
0x7: {  	s7 =	ssub.s32 $0x2, s6;
	s9 =	sshll.u32 s2, $0x9;
	s6 =	sshll.u32 s6, $0x8  }
0x8: {  	s8 =	sshrl.u32 s7, $0x1;
	s6 =	sor.u32 s6, s9;
	s9 =	simm.s32 $0x0  }
0x9: {  	s7 =	ssub.s32 s7, s8;
	s4 =	sadd.s32 s4, s6;
	s5 =	sadd.s32 s5, s6  }
0xa: {  	s8 =	simm.s32 $0x2;
	s6 =	smax.u32 s7, $0x1;
	s7 =	simm.s32 $0x1  }
.LBB2_1:
0xb: {  	[tilespmem:s1], [sflag:$0x1] =	stream.linear.gather [hbm4b:s3+s1], $0x3C80, $0x38;
	[tilespmem:$0xC480] =	vst v63  }
0xc: {  	s10 =	simm.s32 $0x3C80  }
0xd: {  	[tilespmem:s10], [sflag:$0x1] =	stream.linear.gather [hbm4b:s4+s1], $0x800, $0x38;
	[tilespmem:$0xC480] =	vst v63  }
0xe: {  	_ =	swait.ge [sflag:s7], $0x3C80  }
0xf: {  	[sflag:s7] =	ssyncset.done $0x0  }
0x10: {  	[sflag:s7] =	ssyncadd.s32 $0xFFFFC380  }
0x11: {  	_ =	swait.ge [sflag:s7], $0x800  }
0x12: {  	[sflag:s7] =	ssyncset.done $0x0  }
0x13: {  	s11 =	simm.s32 $0x4480;
	s12 =	simm.s32 $0x0;
	[sflag:s7] =	ssyncadd.s32 $0xFFFFF800  }
.LBB2_2:
0x14: {  	v1 =	vmov s10;
	_ =	sdelay $0x3  }
0x15: {  	s14 =	simm.s32 $0x0  }
0x16: {  	v0 =	vld.idx.msk [tilespmem:v1+s14+$0x0 ss:$0x1], $0xffff;
	_ =	sdelay $0x4  }
0x17: {  	v14 =	vshll.u32 v0, $0x4  }
0x18: {  	v2 =	vor.u32 $0x1, v14  }
0x19: {  	v3 =	vor.u32 $0x2, v14  }
0x1a: {  	s30 =	simm.s32 $0x10;
	v4 =	vor.u32 $0x3, v14  }
0x1b: {  	v7 =	vld.idx.msk [tilespmem:v1+s30+$0x0 ss:$0x1], $0xffff;
	v5 =	vor.u32 $0x4, v14  }
0x1c: {  	v11 =	vor.u32 $0x5, v14;
	v0 =	vld.idx.msk [tilespmem:v14+s1+$0x0], $0xffff  }
0x1d: {  	v13 =	vor.u32 $0xF, v14;
	v10 =	vld.idx.msk [tilespmem:v2+s1+$0x0], $0xffff  }
0x1e: {  	v2 =	vor.u32 $0x6, v14;
	v9 =	vld.idx.msk [tilespmem:v3+s1+$0x0], $0xffff  }
0x1f: {  	v12 =	vor.u32 $0x8, v14;
	v8 =	vld.idx.msk [tilespmem:v4+s1+$0x0], $0xffff  }
0x20: {  	v16 =	vor.u32 $0xA, v14;
	v6 =	vld.idx.msk [tilespmem:v5+s1+$0x0], $0xffff  }
0x21: {  	v17 =	vor.u32 $0xB, v14;
	v5 =	vld.idx.msk [tilespmem:v11+s1+$0x0], $0xffff  }
0x22: {  	v3 =	vor.u32 $0x7, v14;
	v15 =	vld.idx.msk [tilespmem:v13+s1+$0x0], $0xffff  }
0x23: {  	v11 =	vor.u32 $0x9, v14;
	v4 =	vld.idx.msk [tilespmem:v2+s1+$0x0], $0xffff  }
0x24: {  	v19 =	vor.u32 $0xC, v14;
	v2 =	vld.idx.msk [tilespmem:v12+s1+$0x0], $0xffff  }
0x25: {  	s13 =	sshll.u32 s12, $0x5;
	v12 =	vld.idx.msk [tilespmem:v16+s1+$0x0], $0xffff;
	v16 =	vor.u32 $0xD, v14  }
0x26: {  	s31 =	sshll.u32 s13, $0x4;
	s15 =	sshll.u32 s13, $0x7;
	v13 =	vld.idx.msk [tilespmem:v17+s1+$0x0], $0xffff;
	v17 =	vor.u32 $0xE, v14  }
0x27: {  	s17 =	sshll.u32 s13, $0x3;
	s16 =	sand.u32 $0xFFFFF800, s31;
	s15 =	sand.u32 $0x400, s15;
	v3 =	vld.idx.msk [tilespmem:v3+s1+$0x0], $0xffff  }
0x28: {  	s18 =	sand.u32 $0x380, s17;
	s17 =	sand.u32 $0x70, s31;
	s16 =	sor.u32 s15, s16;
	v7 =	vshll.u32 v7, $0x4;
	v11 =	vld.idx.msk [tilespmem:v11+s1+$0x0], $0xffff  }
0x29: {  	s15 =	simm.s32 $0x80;
	s18 =	sor.u32 s18, s16;
	s14 =	smov.u32 s13;
	v18 =	vor.u32 $0x1, v7;
	v14 =	vld.idx.msk [tilespmem:v19+s1+$0x0], $0xffff  }
.LBB2_3:
0x2a: {  	p0 =	seq.s32 s15, $0x7C0;
	v19 =	vor.u32 $0x2, v7;
	v20 =	vld.idx.msk [tilespmem:v16+s1+$0x0], $0xffff;
	s16 =	sor.u32 s17, s18  }
0x2b: {  	s17 =	sshra.s32 s15, $0x2;
	v16 =	vor.u32 $0x3, v7;
	v21 =	vld.idx.msk [tilespmem:v17+s1+$0x0], $0xffff;
	[tilespmem:s16+$0xBC80] =	vst v15  }
0x2c: {  	v15 =	vor.u32 $0x4, v7;
	v22 =	vld.idx.msk [tilespmem:v1+s17+$0x0 ss:$0x1], $0xffff;
	[tilespmem:s16+$0x4C80] =	vst v10  }
0x2d: {  	v17 =	vor.u32 $0x5, v7;
	v23 =	vld.idx.msk [tilespmem:v7+s1+$0x0], $0xffff;
	[tilespmem:s16+$0x5480] =	vst v9  }
0x2e: {  	v10 =	vld.idx.msk [tilespmem:v18+s1+$0x0], $0xffff;
	v18 =	vor.u32 $0x6, v7;
	[tilespmem:s16+$0x5C80] =	vst v8  }
0x2f: {  	v9 =	vld.idx.msk [tilespmem:v19+s1+$0x0], $0xffff;
	v19 =	vor.u32 $0x7, v7;
	[tilespmem:s16+$0x6480] =	vst v6  }
0x30: {  	v8 =	vld.idx.msk [tilespmem:v16+s1+$0x0], $0xffff;
	v16 =	vor.u32 $0x8, v7;
	[tilespmem:s16+$0x6C80] =	vst v5  }
0x31: {  	v6 =	vld.idx.msk [tilespmem:v15+s1+$0x0], $0xffff;
	v15 =	vor.u32 $0xF, v7;
	[tilespmem:s16+$0x7480] =	vst v4  }
0x32: {  	v5 =	vld.idx.msk [tilespmem:v17+s1+$0x0], $0xffff;
	v17 =	vor.u32 $0x9, v7;
	[tilespmem:s16+$0x7C80] =	vst v3  }
0x33: {  	v4 =	vld.idx.msk [tilespmem:v18+s1+$0x0], $0xffff;
	v18 =	vor.u32 $0xA, v7;
	[tilespmem:s16+$0x8480] =	vst v2  }
0x34: {  	v3 =	vld.idx.msk [tilespmem:v19+s1+$0x0], $0xffff;
	v19 =	vor.u32 $0xB, v7;
	[tilespmem:s16+$0x8C80] =	vst v11  }
0x35: {  	v24 =	vor.u32 $0xC, v7;
	v2 =	vld.idx.msk [tilespmem:v16+s1+$0x0], $0xffff;
	[tilespmem:s16+$0x9480] =	vst v12  }
.Ltmp0:
0x36: {  	s14 =	sadd.s32 $0x1, s14;
	v16 =	vor.u32 $0xD, v7;
	v15 =	vld.idx.msk [tilespmem:v15+s1+$0x0], $0xffff;
	[tilespmem:s16+$0x9C80] =	vst v13;
	(pc) =	sbr.rel @!p0 .LBB2_3-.Ltmp0, $4  }
0x37: {  	s18 =	sshll.u32 s14, $0x7;
	s17 =	sshll.u32 s14, $0x4;
	v11 =	vld.idx.msk [tilespmem:v17+s1+$0x0], $0xffff;
	v17 =	vor.u32 $0xE, v7;
	[tilespmem:s16+$0xA480] =	vst v14  }
0x38: {  	s20 =	sshll.u32 s14, $0x3;
	s18 =	sand.u32 $0x400, s18;
	s19 =	sand.u32 $0xFFFFF800, s17;
	v12 =	vld.idx.msk [tilespmem:v18+s1+$0x0], $0xffff;
	[tilespmem:s16+$0xAC80] =	vst v20  }
0x39: {  	s20 =	sand.u32 $0x380, s20;
	s18 =	sor.u32 s18, s19;
	v7 =	vshll.u32 v22, $0x4;
	v13 =	vld.idx.msk [tilespmem:v19+s1+$0x0], $0xffff;
	[tilespmem:s16+$0xB480] =	vst v21  }
0x3a: {  	s15 =	sadd.s32 $0x40, s15;
	s17 =	sand.u32 $0x70, s17;
	s18 =	sor.u32 s20, s18;
	v18 =	vor.u32 $0x1, v7;
	v14 =	vld.idx.msk [tilespmem:v24+s1+$0x0], $0xffff;
	[tilespmem:s16+$0x4480] =	vst v0;
	v0 =	vmov v23  }
0x3b: {  	_ =	sdelay $0x2  }
0x3c: {  	v1 =	vor.u32 $0x2, v7  }
0x3d: {  	v16 =	vld.idx.msk [tilespmem:v16+s1+$0x0], $0xffff;
	v19 =	vor.u32 $0x3, v7;
	s15 =	sor.u32 s17, s18  }
0x3e: {  	v17 =	vld.idx.msk [tilespmem:v17+s1+$0x0], $0xffff;
	v20 =	vor.u32 $0x4, v7;
	[tilespmem:s15+$0xBC80] =	vst v15  }
0x3f: {  	v42 =	vld.idx.msk [tilespmem:v7+s1+$0x0], $0xffff;
	v21 =	vor.u32 $0x5, v7;
	[tilespmem:s15+$0x4C80] =	vst v10  }
0x40: {  	v43 =	vld.idx.msk [tilespmem:v18+s1+$0x0], $0xffff;
	v44 =	vor.u32 $0x6, v7;
	[tilespmem:s15+$0x5480] =	vst v9  }
0x41: {  	v45 =	vor.u32 $0x7, v7;
	[tilespmem:s15+$0x5C80] =	vst v8;
	v1 =	vld.idx.msk [tilespmem:v1+s1+$0x0], $0xffff  }
0x42: {  	v47 =	vor.u32 $0x8, v7;
	[tilespmem:s15+$0x6480] =	vst v6;
	v46 =	vld.idx.msk [tilespmem:v19+s1+$0x0], $0xffff  }
0x43: {  	v49 =	vor.u32 $0xF, v7;
	[tilespmem:s15+$0x6C80] =	vst v5;
	v48 =	vld.idx.msk [tilespmem:v20+s1+$0x0], $0xffff  }
0x44: {  	v51 =	vor.u32 $0x9, v7;
	[tilespmem:s15+$0x7480] =	vst v4;
	v50 =	vld.idx.msk [tilespmem:v21+s1+$0x0], $0xffff  }
0x45: {  	v53 =	vor.u32 $0xA, v7;
	[tilespmem:s15+$0x7C80] =	vst v3;
	v52 =	vld.idx.msk [tilespmem:v44+s1+$0x0], $0xffff  }
0x46: {  	v55 =	vor.u32 $0xB, v7;
	[tilespmem:s15+$0x8480] =	vst v2;
	v54 =	vld.idx.msk [tilespmem:v45+s1+$0x0], $0xffff  }
0x47: {  	v57 =	vor.u32 $0xC, v7;
	[tilespmem:s15+$0x8C80] =	vst v11;
	v56 =	vld.idx.msk [tilespmem:v47+s1+$0x0], $0xffff  }
0x48: {  	v58 =	vor.u32 $0xD, v7;
	s14 =	sadd.s32 $0x1, s14;
	[tilespmem:s15+$0x4480] =	vst v0;
	v20 =	vld.idx.msk [tilespmem:v49+s1+$0x0], $0xffff  }
0x49: {  	v60 =	vor.u32 $0xE, v7;
	s16 =	sshll.u32 s14, $0x4;
	s28 =	sshll.u32 s14, $0x7;
	[tilespmem:s15+$0x9480] =	vst v12;
	v59 =	vld.idx.msk [tilespmem:v51+s1+$0x0], $0xffff  }
0x4a: {  	s14 =	sshll.u32 s14, $0x3;
	s29 =	sand.u32 $0xFFFFF800, s16;
	s17 =	sand.u32 $0x400, s28;
	[tilespmem:s15+$0x9C80] =	vst v13;
	v61 =	vld.idx.msk [tilespmem:v53+s1+$0x0], $0xffff  }
0x4b: {  	s14 =	sand.u32 $0x380, s14;
	s17 =	sor.u32 s17, s29;
	[tilespmem:s15+$0xA480] =	vst v14;
	v9 =	vld.idx.msk [tilespmem:v55+s1+$0x0], $0xffff  }
0x4c: {  	s16 =	sand.u32 $0x70, s16;
	s14 =	sor.u32 s14, s17;
	[tilespmem:s15+$0xAC80] =	vst v16;
	v62 =	vld.idx.msk [tilespmem:v57+s1+$0x0], $0xffff  }
0x4d: {  	[tilespmem:s15+$0xB480] =	vst v17;
	v11 =	vld.idx.msk [tilespmem:v58+s1+$0x0], $0xffff;
	s14 =	sor.u32 s16, s14  }
0x4e: {  	v63 =	vld.idx.msk [tilespmem:v60+s1+$0x0], $0xffff;
	[tilespmem:s14+$0x4C80] =	vst v43  }
0x4f: {  	[tilespmem:s14+$0x4480] =	vst v42  }
0x50: {  	[tilespmem:s14+$0xBC80] =	vst v20  }
0x51: {  	[tilespmem:s14+$0x5480] =	vst v1  }
0x52: {  	[tilespmem:s14+$0x5C80] =	vst v46  }
0x53: {  	[tilespmem:s14+$0x6480] =	vst v48  }
0x54: {  	[tilespmem:s14+$0x6C80] =	vst v50  }
0x55: {  	[tilespmem:s14+$0x7480] =	vst v52  }
0x56: {  	[tilespmem:s14+$0x7C80] =	vst v54  }
0x57: {  	[tilespmem:s14+$0x8480] =	vst v56  }
0x58: {  	[tilespmem:s14+$0x8C80] =	vst v59  }
0x59: {  	[tilespmem:s14+$0x9480] =	vst v61  }
0x5a: {  	[tilespmem:s14+$0x9C80] =	vst v9  }
0x5b: {  	s13 =	sadd.s32 s13, s5;
	[tilespmem:s14+$0xA480] =	vst v62  }
0x5c: {  	s30 =	sadd.s32 $0x0, s11;
	s31 =	sadd.s32 $0x0, s13;
	[tilespmem:s14+$0xAC80] =	vst v11  }
0x5d: {  	s15 =	sadd.s32 $0x400, s30;
	s16 =	sadd.s32 $0x80, s31;
	[tilespmem:s14+$0xB480] =	vst v63;
	s14 =	simm.s32 $0x2000  }
0x5e: {  	[hbm4b:s31+s1] =	stream.linear.scatter [tilespmem:s30], [sflag:$0x2], $0x100, $0x38;
	[tilespmem:$0xC480] =	vst v63  }
.LBB2_5:
0x5f: {  	[hbm4b:s16+s1] =	stream.linear.scatter [tilespmem:s15], [sflag:$0x2], $0x100, $0x38;
	[tilespmem:$0xC480] =	vst v63  }
0x60: {  	s15 =	smov.u32 s14;
	p0 =	sne.s32 s14, $0x1E000  }
.Ltmp1:
0x61: {  	s14 =	sadd.s32 $0x2000, s14;
	(pc) =	sbr.rel @p0 .LBB2_5-.Ltmp1, $4  }
0x62: {  	s16 =	sshra.s32 s15, $0x2  }
0x63: {  	s17 =	sadd.s32 s15, s13;
	s16 =	sadd.s32 s16, s11  }
0x64: {  	[hbm4b:s17+s1] =	stream.linear.scatter [tilespmem:s16], [sflag:$0x2], $0x100, $0x38;
	[tilespmem:$0xC480] =	vst v63  }
0x65: {  	s15 =	sadd.s32 $0x400, s16;
	s16 =	sadd.s32 $0x80, s17  }
0x66: {  	s12 =	sadd.s32 $0x1, s12  }
0x67: {  	p0 =	sne.s32 s12, $0x4  }
.Ltmp2:
0x68: {  	_ = 	snop;
	(pc) =	sbr.rel @p0 .LBB2_2-.Ltmp2, $3  }
0x69: {  	_ =	sdelay $0x1  }
0x6a: {  	[hbm4b:s16+s1] =	stream.linear.scatter [tilespmem:s15], [sflag:$0x2], $0x100, $0x38;
	[tilespmem:$0xC480] =	vst v63  }
0x6b: {  	s10 =	sadd.s32 $0x200, s10;
	s11 =	sadd.s32 $0x100, s11  }
0x6c: {  	s9 =	sadd.s32 $0x1, s9  }
0x6d: {  	p0 =	sne.s32 s9, s6  }
.Ltmp3:
0x6e: {  	_ = 	snop;
	(pc) =	sbr.rel @p0 .LBB2_1-.Ltmp3, $4  }
0x6f: {  	_ = 	snop  }
0x70: {  	_ =	swait.ge [sflag:s8], $0x8000  }
0x71: {  	[sflag:s8] =	ssyncset.done $0x0  }
0x72: {  	[sflag:s8] =	ssyncadd.s32 $0xFFFF8000  }
0x73: {  	_ =	sfence.sel $0x180000  }
0x74: {  	[bflag:$0x0] =	sbarrier.arrive $0xFFFF  }
0x75: {  	p0 =	sne.s32 s2, $0x0;
	_ =	strace $0x90000047  }
0x76: {  	s0 =	sadd.s32 @!p0 $0x100000, s0;
	[bflag:$0x2] =	sbarrier.arrive $0xFFFF  }
0x77: {  	[sflag:s0] =	ssyncadd.tile.s32 @!p0 $0x1;
	_ =	shalt  }
.Lfunc_end2:
_tile_overlayer_lowered:
.L_overlay_start_2:
0x78: {  	(tag) =	ssettag $0x2  }
0x79: {  	s0 =	rddreg [dreg:$0x0];
	s2 =	stileid.u32  }
0x7a: {  	s1 =	rddreg [dreg:$0x1];
	p0 =	sne.s32 s2, $0x0  }
0x7b: {  	s3 =	rddreg [dreg:$0x2];
	[bflag:$0x3] =	sbarrier.arrive $0xFFFF;
	s2 =	simm.s32 @!p0 $0x1C03  }
0x7c: {  	[timem:s3], [sflag:s2] =	dma.local @!p0 [hbm:s0], s1  }
0x7d: {  	s0 =	simm.s32 @!p0 $0x3  }
0x7e: {  	_ =	swait.ge @!p0 [sflag:s0], s1  }
0x7f: {  	s1 =	ssub.s32 @!p0 $0x0, s1;
	[sflag:s0] =	ssyncset.done @!p0 $0x0  }
0x80: {  	[sflag:s0] =	ssyncadd.s32 @!p0 s1  }
0x81: {  	[bflag:$0x3] =	sbarrier.arrive $0xFFFF  }
0x82: {  	_ =	shalt  }

</sc_bundles>
